<compile_context>
chip_gen: v7x
topology: tpu7x:2x2x1
jax: 0.10.2.dev20260603
libtpu: 0.0.44.dev20260713+nightly
codegen_flags: <defaults>
</compile_context>

<pallas_src>
import functools

import jax
import jax.numpy as jnp
from jax import lax
from jax.experimental import pallas as pl
from jax.experimental.pallas import tpu as pltpu
from jax.experimental.pallas import tpu_sc as plsc

_B, _C, _H, _W = 1024, 256, 14, 14
_HW = _H * _W
_NW = 32
_EPW = _B // _NW
_SLAB = 4


def _sc_gather_body(mp_hbm, idx_hbm, out_hbm,
                    idx_v, gidx_v, horiz_v, mrow_v, bstage, sem):
    cid = lax.axis_index("c")
    sid = lax.axis_index("s")
    wid = sid * 2 + cid
    b0 = wid * _EPW
    pltpu.sync_copy(idx_hbm.at[pl.ds(b0, _EPW)], idx_v)
    iota = lax.iota(jnp.int32, 16)
    for t in range(_EPW // 16):
        v = idx_v[pl.ds(16 * t, 16)]
        gidx_v[pl.ds(16 * t, 16)] = lax.shift_right_logical(v, 1)
        horiz_v[pl.ds(16 * t, 16)] = jnp.bitwise_and(v, 1) * (_C // 4)
    pltpu.async_copy(mp_hbm.at[gidx_v], mrow_v, sem).wait()

    def sel(e, _):
        se = jnp.broadcast_to(e, (16,))
        he = plsc.load_gather(horiz_v, [se])
        for q in range(_C // 64):
            w = plsc.load_gather(mrow_v, [se, he + q * 16 + iota])
            bstage[e, pl.ds(q * 16, 16)] = w
        return 0

    lax.fori_loop(0, _EPW, sel, 0)
    pltpu.sync_copy(bstage, out_hbm.at[pl.ds(b0, _EPW)])


def _sc_gather_masks(mpair, idx):
    mesh = plsc.VectorSubcoreMesh(core_axis_name="c", subcore_axis_name="s")
    run = functools.partial(
        pl.kernel, mesh=mesh,
        out_type=jax.ShapeDtypeStruct((_B, _C // 4), jnp.int32),
        scratch_types=[
            pltpu.VMEM((_EPW,), jnp.int32),
            pltpu.VMEM((_EPW,), jnp.int32),
            pltpu.VMEM((_EPW,), jnp.int32),
            pltpu.VMEM((_EPW, _C // 2), jnp.int32),
            pltpu.VMEM((_EPW, _C // 4), jnp.int32),
            pltpu.SemaphoreType.DMA,
        ],
        compiler_params=pltpu.CompilerParams(needs_layout_passes=False),
    )(_sc_gather_body)
    return run(mpair, idx)


def _mul_body(m_ref, x_ref, o_ref):
    o_ref[...] = x_ref[...] * m_ref[...].astype(jnp.float32)[None]


def kernel(X, idx, masks):
    n = masks.shape[0]
    mpair = lax.bitcast_convert_type(
        masks.view(jnp.uint8).reshape(n // 2, _C // 2, 4), jnp.int32)
    bm_i32 = _sc_gather_masks(mpair, idx.astype(jnp.int32))
    bm = lax.bitcast_convert_type(bm_i32, jnp.uint8).reshape(_B, _C)
    xp = jnp.transpose(X, (2, 3, 0, 1)).reshape(_HW, _B, _C)
    outp = pl.pallas_call(
        _mul_body,
        grid=(_HW // _SLAB,),
        in_specs=[
            pl.BlockSpec((_B, _C), lambda i: (0, 0)),
            pl.BlockSpec((_SLAB, _B, _C), lambda i: (i, 0, 0)),
        ],
        out_specs=pl.BlockSpec((_SLAB, _B, _C), lambda i: (i, 0, 0)),
        out_shape=jax.ShapeDtypeStruct((_HW, _B, _C), jnp.float32),
        compiler_params=pltpu.CompilerParams(
            dimension_semantics=("arbitrary",),
        ),
    )(bm, xp)
    return jnp.transpose(outp.reshape(_H, _W, _B, _C), (2, 3, 0, 1))

# --- scband reference (transcript-rebuilt; emitter-appended) ---
"""Pipeline reference for scband-example-tied-dropout-27865747817120 (READ-ONLY COPY).

The authoritative reference and input builder live on the scoring server;
editing this copy changes nothing except your own understanding.
"""

import jax, jax.numpy as jnp
import numpy as np

N_SAMPLES = 100000
C = 256
P_FIXED = 0.2
P_MEM = 0.1
BATCH = 1024
H = 14
W = 14


def setup_inputs(seed: int = 0) -> dict:
    key = jax.random.key(seed)
    k_x, k_idx, k_mem = jax.random.split(key, 3)
    X = jax.random.normal(k_x, (BATCH, C, H, W), dtype=jnp.float32)
    idx = jax.random.randint(k_idx, (BATCH,), 0, N_SAMPLES, dtype=jnp.int64 if jax.config.jax_enable_x64 else jnp.int32)
    # Materialize the per-example tied dropout mask table (stateful buffer in the
    # torch module). First num_fixed channels are always kept; the remaining
    # 'memorization' channels are kept with probability p_mem, tied per example.
    num_fixed = int(P_FIXED * C)
    fixed_part = jnp.ones((N_SAMPLES, num_fixed), dtype=jnp.bool_)
    mem_part = jax.random.bernoulli(k_mem, P_MEM, (N_SAMPLES, C - num_fixed))
    masks = jnp.concatenate([fixed_part, mem_part], axis=1)
    return {"X": X, "idx": idx, "masks": masks}


def reference(X, idx, masks):
    # Training-path forward of ExampleTiedDropout: gather each example's tied
    # 1D channel mask from the mask table, broadcast over spatial dims, multiply.
    batch_mask_1d = jnp.take(masks, idx, axis=0)  # [B, C] bool gather
    mask = batch_mask_1d[:, :, None, None].astype(X.dtype)  # [B, C, 1, 1] -> broadcast
    return X * mask

if __name__ == "__main__":
    import jax
    _d = setup_inputs()
    print(jax.jit(kernel)(*tuple(_d.values())))

</pallas_src>

<mosaic_0001>
#map = affine_map<(d0, d1) -> (0, 0)>
#map1 = affine_map<(d0, d1) -> (0)>
module attributes {stable_mosaic.version = 14 : i64} {
  func.func @_sc_gather_body(%arg0: i32, %arg1: i32, %arg2: memref<50000x128xi32, #tpu.memory_space<hbm>>, %arg3: memref<1024xi32, #tpu.memory_space<hbm>>, %arg4: memref<1024x64xi32, #tpu.memory_space<hbm>>, %arg5: memref<32xi32, #tpu.memory_space<vmem>>, %arg6: memref<32xi32, #tpu.memory_space<vmem>>, %arg7: memref<32xi32, #tpu.memory_space<vmem>>, %arg8: memref<32x128xi32, #tpu.memory_space<vmem>>, %arg9: memref<32x64xi32, #tpu.memory_space<vmem>>, %arg10: memref<!tpu.dma_semaphore, #tpu.memory_space<semaphore_mem>>) attributes {dimension_semantics = [#tpu.dimension_semantics<core_parallel>, #tpu.dimension_semantics<subcore_parallel>], iteration_bounds = array<i64: 2, 16>, scalar_prefetch = 0 : i64, scratch_operands = 6 : i64, tpu.core_type = #tpu.core_type<sc_vector_subcore>, window_params = [{transform_indices = #map}, {transform_indices = #map1}, {transform_indices = #map}]} {
    %mul3A = arith.constant 2 : i32
    %mul3A_0 = arith.muli %arg1, %mul3A : i32
    %add3A = arith.addi %mul3A_0, %arg0 : i32
    %mul3A_1 = arith.constant 32 : i32
    %mul3A_2 = arith.muli %add3A, %mul3A_1 : i32
    "tpu.region"() ({
      %run_scoped3A = tpu.sem_alloc : memref<!tpu.dma_semaphore, #tpu.memory_space<semaphore_mem>>
      %dma_start3A_39 = tpu.memref_slice %arg3[%mul3A_2] : memref<1024xi32, #tpu.memory_space<hbm>> -> memref<32xi32, #tpu.memory_space<hbm>>
      %dma_start3A_40 = tpu.memref_slice %arg3[%mul3A_2] : memref<1024xi32, #tpu.memory_space<hbm>> -> memref<32xi32, #tpu.memory_space<hbm>>
      tpu.enqueue_dma source(%dma_start3A_40 : memref<32xi32, #tpu.memory_space<hbm>>) target(%arg5 : memref<32xi32, #tpu.memory_space<vmem>>) target_semaphore(%run_scoped3A : memref<!tpu.dma_semaphore, #tpu.memory_space<semaphore_mem>>)
      %dma_wait3A_41 = tpu.memref_slice %arg3[%mul3A_2] : memref<1024xi32, #tpu.memory_space<hbm>> -> memref<32xi32, #tpu.memory_space<hbm>>
      %dma_wait3A_42 = tpu.memref_slice %arg3[%mul3A_2] : memref<1024xi32, #tpu.memory_space<hbm>> -> memref<32xi32, #tpu.memory_space<hbm>>
      tpu.wait_dma2 semaphore(%run_scoped3A : memref<!tpu.dma_semaphore, #tpu.memory_space<semaphore_mem>>) src(%dma_wait3A_42 : memref<32xi32, #tpu.memory_space<hbm>>) dst(%arg5 : memref<32xi32, #tpu.memory_space<vmem>>)
      tpu.yield
    }) : () -> ()
    %iota3A = tpu.iota {dimensions = array<i32: 0>} : vector<16xi32>
    %get3A = arith.constant 0 : index
    %get3A_3 = tpu.vector_load %arg5[%get3A] {strides = array<i32>} : memref<32xi32, #tpu.memory_space<vmem>>, vector<16xi32>,
    %shift_right_logical3A = arith.constant 1 : i32
    %shift_right_logical3A_4 = vector.broadcast %shift_right_logical3A : i32 to vector<16xi32>
    %shift_right_logical3A_5 = arith.shrui %get3A_3, %shift_right_logical3A_4 : vector<16xi32>
    %swap3A = arith.constant 0 : index
    %swap3A_6 = tpu.vector_load %arg6[%swap3A] {strides = array<i32>} : memref<32xi32, #tpu.memory_space<vmem>>, vector<16xi32>,
    tpu.vector_store %arg6[%swap3A], %shift_right_logical3A_5 {strides = array<i32>} : memref<32xi32, #tpu.memory_space<vmem>>, vector<16xi32>,
    %and3A = arith.constant 1 : i32
    %and3A_7 = vector.broadcast %and3A : i32 to vector<16xi32>
    %and3A_8 = arith.andi %get3A_3, %and3A_7 : vector<16xi32>
    %mul3A_9 = arith.constant 64 : i32
    %mul3A_10 = vector.broadcast %mul3A_9 : i32 to vector<16xi32>
    %mul3A_11 = arith.muli %and3A_8, %mul3A_10 : vector<16xi32>
    %swap3A_12 = arith.constant 0 : index
    %swap3A_13 = tpu.vector_load %arg7[%swap3A_12] {strides = array<i32>} : memref<32xi32, #tpu.memory_space<vmem>>, vector<16xi32>,
    tpu.vector_store %arg7[%swap3A_12], %mul3A_11 {strides = array<i32>} : memref<32xi32, #tpu.memory_space<vmem>>, vector<16xi32>,
    %get3A_14 = arith.constant 16 : index
    %get3A_15 = tpu.vector_load %arg5[%get3A_14] {strides = array<i32>} : memref<32xi32, #tpu.memory_space<vmem>>, vector<16xi32>,
    %shift_right_logical3A_16 = arith.constant 1 : i32
    %shift_right_logical3A_17 = vector.broadcast %shift_right_logical3A_16 : i32 to vector<16xi32>
    %shift_right_logical3A_18 = arith.shrui %get3A_15, %shift_right_logical3A_17 : vector<16xi32>
    %swap3A_19 = arith.constant 16 : index
    %swap3A_20 = tpu.vector_load %arg6[%swap3A_19] {strides = array<i32>} : memref<32xi32, #tpu.memory_space<vmem>>, vector<16xi32>,
    tpu.vector_store %arg6[%swap3A_19], %shift_right_logical3A_18 {strides = array<i32>} : memref<32xi32, #tpu.memory_space<vmem>>, vector<16xi32>,
    %and3A_21 = arith.constant 1 : i32
    %and3A_22 = vector.broadcast %and3A_21 : i32 to vector<16xi32>
    %and3A_23 = arith.andi %get3A_15, %and3A_22 : vector<16xi32>
    %mul3A_24 = arith.constant 64 : i32
    %mul3A_25 = vector.broadcast %mul3A_24 : i32 to vector<16xi32>
    %mul3A_26 = arith.muli %and3A_23, %mul3A_25 : vector<16xi32>
    %swap3A_27 = arith.constant 16 : index
    %swap3A_28 = tpu.vector_load %arg7[%swap3A_27] {strides = array<i32>} : memref<32xi32, #tpu.memory_space<vmem>>, vector<16xi32>,
    tpu.vector_store %arg7[%swap3A_27], %mul3A_26 {strides = array<i32>} : memref<32xi32, #tpu.memory_space<vmem>>, vector<16xi32>,
    %dma_start3A = arith.constant 0 : i32
    %dma_start3A_29 = arith.constant 0 : i32
    %dma_start3A_30 = tpu.memref_slice %arg2[%dma_start3A, %dma_start3A_29] : memref<50000x128xi32, #tpu.memory_space<hbm>> -> memref<50000x128xi32, #tpu.memory_space<hbm>>
    tpu.enqueue_indirect_dma source(%dma_start3A_30 : memref<50000x128xi32, #tpu.memory_space<hbm>>) target(%arg8 : memref<32x128xi32, #tpu.memory_space<vmem>>) offsets(%arg6 : memref<32xi32, #tpu.memory_space<vmem>>) semaphore(%arg10 : memref<!tpu.dma_semaphore, #tpu.memory_space<semaphore_mem>>)
    %dma_wait3A = arith.constant 0 : i32
    %dma_wait3A_31 = arith.constant 0 : i32
    %dma_wait3A_32 = tpu.memref_slice %arg2[%dma_wait3A, %dma_wait3A_31] : memref<50000x128xi32, #tpu.memory_space<hbm>> -> memref<50000x128xi32, #tpu.memory_space<hbm>>
    tpu.wait_indirect_dma semaphore(%arg10 : memref<!tpu.dma_semaphore, #tpu.memory_space<semaphore_mem>>) src(%dma_wait3A_32 : memref<50000x128xi32, #tpu.memory_space<hbm>>) dst(%arg8 : memref<32x128xi32, #tpu.memory_space<vmem>>)
    %scan3A = arith.constant 0 : i32
    %scan3A_33 = arith.constant 0 : i32
    %scan3A_34 = arith.constant 32 : i32
    %scan3A_35 = arith.addi %scan3A_33, %scan3A_34 : i32
    %scan3A_36 = arith.constant 1 : i32
    %scan3A_37 = scf.for %scan3A_39 = %scan3A_33 to %scan3A_35 step %scan3A_36 iter_args(%scan3A_40 = %scan3A) -> (i32)  : i32 {
      %broadcast_in_dim3A = vector.broadcast %scan3A_39 : i32 to vector<16xi32>
      %gather3A = tpu.vector_load_idx %arg7[%broadcast_in_dim3A] : memref<32xi32, #tpu.memory_space<vmem>>[vector<16xi32>], vector<16xi32>,
      %add3A_41 = arith.constant 0 : i32
      %add3A_42 = vector.broadcast %add3A_41 : i32 to vector<16xi32>
      %add3A_43 = arith.addi %gather3A, %add3A_42 : vector<16xi32>
      %add3A_44 = arith.addi %add3A_43, %iota3A : vector<16xi32>
      %gather3A_45 = tpu.vector_load_idx %arg8[%broadcast_in_dim3A, %add3A_44] : memref<32x128xi32, #tpu.memory_space<vmem>>[vector<16xi32>, vector<16xi32>], vector<16xi32>,
      %swap3A_46 = arith.index_cast %scan3A_39 : i32 to index
      %swap3A_47 = arith.constant 0 : index
      %swap3A_48 = tpu.vector_load %arg9[%swap3A_46, %swap3A_47] {strides = array<i32>} : memref<32x64xi32, #tpu.memory_space<vmem>>, vector<16xi32>,
      tpu.vector_store %arg9[%swap3A_46, %swap3A_47], %gather3A_45 {strides = array<i32>} : memref<32x64xi32, #tpu.memory_space<vmem>>, vector<16xi32>,
      %add3A_49 = arith.constant 16 : i32
      %add3A_50 = vector.broadcast %add3A_49 : i32 to vector<16xi32>
      %add3A_51 = arith.addi %gather3A, %add3A_50 : vector<16xi32>
      %add3A_52 = arith.addi %add3A_51, %iota3A : vector<16xi32>
      %gather3A_53 = tpu.vector_load_idx %arg8[%broadcast_in_dim3A, %add3A_52] : memref<32x128xi32, #tpu.memory_space<vmem>>[vector<16xi32>, vector<16xi32>], vector<16xi32>,
      %swap3A_54 = arith.index_cast %scan3A_39 : i32 to index
      %swap3A_55 = arith.constant 16 : index
      %swap3A_56 = tpu.vector_load %arg9[%swap3A_54, %swap3A_55] {strides = array<i32>} : memref<32x64xi32, #tpu.memory_space<vmem>>, vector<16xi32>,
      tpu.vector_store %arg9[%swap3A_54, %swap3A_55], %gather3A_53 {strides = array<i32>} : memref<32x64xi32, #tpu.memory_space<vmem>>, vector<16xi32>,
      %add3A_57 = arith.constant 32 : i32
      %add3A_58 = vector.broadcast %add3A_57 : i32 to vector<16xi32>
      %add3A_59 = arith.addi %gather3A, %add3A_58 : vector<16xi32>
      %add3A_60 = arith.addi %add3A_59, %iota3A : vector<16xi32>
      %gather3A_61 = tpu.vector_load_idx %arg8[%broadcast_in_dim3A, %add3A_60] : memref<32x128xi32, #tpu.memory_space<vmem>>[vector<16xi32>, vector<16xi32>], vector<16xi32>,
      %swap3A_62 = arith.index_cast %scan3A_39 : i32 to index
      %swap3A_63 = arith.constant 32 : index
      %swap3A_64 = tpu.vector_load %arg9[%swap3A_62, %swap3A_63] {strides = array<i32>} : memref<32x64xi32, #tpu.memory_space<vmem>>, vector<16xi32>,
      tpu.vector_store %arg9[%swap3A_62, %swap3A_63], %gather3A_61 {strides = array<i32>} : memref<32x64xi32, #tpu.memory_space<vmem>>, vector<16xi32>,
      %add3A_65 = arith.constant 48 : i32
      %add3A_66 = vector.broadcast %add3A_65 : i32 to vector<16xi32>
      %add3A_67 = arith.addi %gather3A, %add3A_66 : vector<16xi32>
      %add3A_68 = arith.addi %add3A_67, %iota3A : vector<16xi32>
      %gather3A_69 = tpu.vector_load_idx %arg8[%broadcast_in_dim3A, %add3A_68] : memref<32x128xi32, #tpu.memory_space<vmem>>[vector<16xi32>, vector<16xi32>], vector<16xi32>,
      %swap3A_70 = arith.index_cast %scan3A_39 : i32 to index
      %swap3A_71 = arith.constant 48 : index
      %swap3A_72 = tpu.vector_load %arg9[%swap3A_70, %swap3A_71] {strides = array<i32>} : memref<32x64xi32, #tpu.memory_space<vmem>>, vector<16xi32>,
      tpu.vector_store %arg9[%swap3A_70, %swap3A_71], %gather3A_69 {strides = array<i32>} : memref<32x64xi32, #tpu.memory_space<vmem>>, vector<16xi32>,
      %scan3A_73 = arith.constant 0 : i32
      scf.yield %scan3A_73 : i32
    }
    %scan3A_38 = arith.constant 32 : i32
    "tpu.region"() ({
      %run_scoped3A = tpu.sem_alloc : memref<!tpu.dma_semaphore, #tpu.memory_space<semaphore_mem>>
      %dma_start3A_39 = arith.constant 0 : i32
      %dma_start3A_40 = tpu.memref_slice %arg4[%mul3A_2, %dma_start3A_39] : memref<1024x64xi32, #tpu.memory_space<hbm>> -> memref<32x64xi32, #tpu.memory_space<hbm>>
      %dma_start3A_41 = arith.constant 0 : i32
      %dma_start3A_42 = tpu.memref_slice %arg4[%mul3A_2, %dma_start3A_41] : memref<1024x64xi32, #tpu.memory_space<hbm>> -> memref<32x64xi32, #tpu.memory_space<hbm>>
      tpu.enqueue_dma source(%arg9 : memref<32x64xi32, #tpu.memory_space<vmem>>) target(%dma_start3A_42 : memref<32x64xi32, #tpu.memory_space<hbm>>) target_semaphore(%run_scoped3A : memref<!tpu.dma_semaphore, #tpu.memory_space<semaphore_mem>>)
      %dma_wait3A_43 = arith.constant 0 : i32
      %dma_wait3A_44 = tpu.memref_slice %arg4[%mul3A_2, %dma_wait3A_43] : memref<1024x64xi32, #tpu.memory_space<hbm>> -> memref<32x64xi32, #tpu.memory_space<hbm>>
      %dma_wait3A_45 = arith.constant 0 : i32
      %dma_wait3A_46 = tpu.memref_slice %arg4[%mul3A_2, %dma_wait3A_45] : memref<1024x64xi32, #tpu.memory_space<hbm>> -> memref<32x64xi32, #tpu.memory_space<hbm>>
      tpu.wait_dma2 semaphore(%run_scoped3A : memref<!tpu.dma_semaphore, #tpu.memory_space<semaphore_mem>>) src(%arg9 : memref<32x64xi32, #tpu.memory_space<vmem>>) dst(%dma_wait3A_46 : memref<32x64xi32, #tpu.memory_space<hbm>>)
      tpu.yield
    }) : () -> ()
    return
  }
}

module attributes {stable_mosaic.version = 14 : i64} {
  func.func @_mul_body(%arg0: i32, %arg1: memref<1024x256xi8, #tpu.memory_space<vmem>>, %arg2: memref<4x1024x256xf32, #tpu.memory_space<vmem>>, %arg3: memref<4x1024x256xf32, #tpu.memory_space<vmem>>) attributes {dimension_semantics = [#tpu.dimension_semantics<arbitrary>], iteration_bounds = array<i64: 49>, scalar_prefetch = 0 : i64, scratch_operands = 0 : i64, tpu.core_type = #tpu.core_type<tc>, window_params = [{pipeline_mode = #tpu.pipeline_mode<synchronous>, transform_indices = @transform_0, window_bounds = array<i64: 1024, 256>}, {transform_indices = @transform_1, window_bounds = array<i64: 4, 1024, 256>}, {transform_indices = @transform_2, window_bounds = array<i64: 4, 1024, 256>}]} {
    %get3A = arith.constant 0 : index
    %get3A_0 = arith.constant 0 : index
    %get3A_1 = arith.constant 0 : index
    %get3A_2 = vector.load %arg2[%get3A, %get3A_0, %get3A_1] : memref<4x1024x256xf32, #tpu.memory_space<vmem>>, vector<4x1024x256xf32>
    %get3A_3 = arith.constant 0 : index
    %get3A_4 = arith.constant 0 : index
    %get3A_5 = vector.load %arg1[%get3A_3, %get3A_4] : memref<1024x256xi8, #tpu.memory_space<vmem>>, vector<1024x256xi8>
    %convert_element_type3A = arith.uitofp %get3A_5 : vector<1024x256xi8> to vector<1024x256xf32>
    %broadcast_in_dim3A = vector.shape_cast %convert_element_type3A : vector<1024x256xf32> to vector<1x1024x256xf32>
    %mul3A = vector.broadcast %broadcast_in_dim3A : vector<1x1024x256xf32> to vector<4x1024x256xf32>
    %mul3A_6 = arith.mulf %get3A_2, %mul3A : vector<4x1024x256xf32>
    %swap3A = arith.constant 0 : index
    %swap3A_7 = arith.constant 0 : index
    %swap3A_8 = arith.constant 0 : index
    %swap3A_9 = vector.load %arg3[%swap3A, %swap3A_7, %swap3A_8] : memref<4x1024x256xf32, #tpu.memory_space<vmem>>, vector<4x1024x256xf32>
    tpu.vector_store %arg3[%swap3A, %swap3A_7, %swap3A_8], %mul3A_6 {strides = array<i32>} : memref<4x1024x256xf32, #tpu.memory_space<vmem>>, vector<4x1024x256xf32>,
    return
  }
  func.func @transform_0(%arg0: i32) -> (i32, i32) {
    %c0_i32 = arith.constant 0 : i32
    %c0_i32_0 = arith.constant 0 : i32
    %c0_i32_1 = arith.constant 0 : i32
    return %c0_i32, %c0_i32_0 : i32, i32
  }
  func.func @transform_1(%arg0: i32) -> (i32, i32, i32) {
    %c0_i32 = arith.constant 0 : i32
    %c0_i32_0 = arith.constant 0 : i32
    %c0_i32_1 = arith.constant 0 : i32
    return %arg0, %c0_i32, %c0_i32_0 : i32, i32, i32
  }
  func.func @transform_2(%arg0: i32) -> (i32, i32, i32) {
    %c0_i32 = arith.constant 0 : i32
    %c0_i32_0 = arith.constant 0 : i32
    %c0_i32_1 = arith.constant 0 : i32
    return %arg0, %c0_i32, %c0_i32_0 : i32, i32, i32
  }
}

</mosaic_0001>

<sc_bundles>
// kernel: kernel.4.cloned.1.call-start
scs
__scs_entry_jumppad:
0x0: {  	(pc) =	sbr.rel $0x88, $3  }
0x1: {  	(tag) =	ssettag $0x0;
	lr =	simm.s32 $0x1  }
0x2: {  	[smem:$0x3F9E] =	sst lr;
	_ =	strace $0xD0000000  }
0x3: {  	_ = 	snop  }
0x4: {  	_ = 	snop  }
0x5: {  	_ = 	snop  }
0x6: {  	_ = 	snop  }
0x7: {  	_ = 	snop  }
__scs_overlays_trampoline_lowered:
0x8: {  	[smem:$0x3FAD] =	sst s0  }
0x9: {  	[smem:$0x3FAE] =	sst s1  }
0xa: {  	[smem:$0x3FAF] =	sst s2  }
0xb: {  	[smem:$0x3FB0] =	sst s3  }
0xc: {  	[smem:$0x3FB1] =	sst s4  }
0xd: {  	[smem:$0x3FB2] =	sst s5  }
0xe: {  	[smem:$0x3FB3] =	sst s6  }
0xf: {  	[smem:$0x3FB4] =	sst s7  }
0x10: {  	[smem:$0x3FB5] =	sst s8  }
0x11: {  	[smem:$0x3FB6] =	sst s9;
	s0 =	simm.s32 @!p0 $0x0  }
0x12: {  	s1 =	sld [smem:$0x3F9C];
	s0 =	simm.s32 @p0 $0x1  }
0x13: {  	[smem:$0x3FB7] =	sst s0;
	s0 =	simm.s32 @!p1 $0x0  }
0x14: {  	s2 =	sld [smem:$0x3F9B];
	s0 =	simm.s32 @p1 $0x1  }
0x15: {  	[smem:$0x3FB8] =	sst s0;
	s0 =	simm.s32 @!p2 $0x0  }
0x16: {  	s3 =	sld [smem:$0x3FDB];
	s0 =	simm.s32 @p2 $0x1  }
0x17: {  	s4 =	simm.s32 $0x1BF5;
	[smem:$0x3FBA] =	sst s0  }
0x18: {  	s0 =	sld [smem:$0x3F9D];
	_ =	swait.ge [sflag:s4], $0x0  }
0x19: {  	s7 =	sld [smem:$0x3F9E]  }
0x1a: {  	s8 =	sadd.s32 $0xFFFFE003, lr  }
0x1b: {  	s9 =	sadd.s32 $0xFFFFFEF7, lr;
	s5 =	simm.s32 $0xFFFFFFFF;
	p2 =	slt.u32 s8, $0xFFFFF086  }
0x1c: {  	p1 =	slt.u32 s9, $0xF7A;
	s5 =	simm.s32 @!p2 $0x0  }
0x1d: {  	s5 =	simm.s32 @p1 $0x1;
	p0 =	seq.s32 s7, s2  }
0x1e: {  	s7 =	smul.u32 @!p0 $0xF7A, s2;
	p2 =	seq.s32 @!p0 s5, $0x0  }
0x1f: {  	s9 =	smul.u32 $0xF7A, s1;
	s8 =	simm.s32 @!p0 $0x1BF5;
	p2 =	por !p2, p0  }
0x20: {  	[sflag:s8] =	ssyncset.s32 @!p0 $0xFFFFF086;
	s6 =	sadd.s32 @!p0 s3, s7;
	s7 =	simm.s32 @!p0 $0x108  }
0x21: {  	s3 =	sadd.s32 s3, s9;
	s6 =	sadd.s32 @!p0 $0x88, s6;
	s7 =	simm.s32 @p2 $0x1082  }
0x22: {  	[simem:s7], [sflag:s8] =	dma.local @!p0 [hbm:s6], $0xF7A  }
0x23: {  	s9 =	sor.u32 $0xD0000000, s2;
	s6 =	simm.s32 $0x108;
	_ =	swait.ge @!p0 [sflag:s8], $0x0  }
0x24: {  	s3 =	sadd.s32 $0x88, s3;
	s6 =	simm.s32 @!p1 $0x1082;
	[sflag:s4] =	ssyncset.s32 $0xFFFFF086  }
0x25: {  	[simem:s6], [sflag:s4] =	dma.local [hbm:s3], $0xF7A  }
0x26: {  	[smem:$0x3F9E] =	sst s1;
	(tag) =	ssettag s2;
	_ =	strace s9  }
0x27: {  	s1 =	sld [smem:$0x3FAE]  }
0x28: {  	s2 =	sld [smem:$0x3FAF]  }
0x29: {  	s4 =	sld [smem:$0x3FB1]  }
0x2a: {  	p0 =	seq.s32 s5, $0x0;
	s5 =	sld [smem:$0x3FB2]  }
0x2b: {  	s6 =	sld [smem:$0x3FB3]  }
0x2c: {  	s7 =	sld [smem:$0x3FB4]  }
0x2d: {  	s3 =	simm.s32 $0x108;
	s8 =	sld [smem:$0x3FB5]  }
0x2e: {  	s3 =	simm.s32 @!p0 $0x1082;
	s9 =	sld [smem:$0x3FB6]  }
0x2f: {  	lr =	sadd.s32 s0, s3;
	s0 =	sld [smem:$0x3FAD]  }
0x30: {  	s3 =	sld [smem:$0x3FB0]  }
0x31: {  	[smem:$0x3FB9] =	sst s10  }
0x32: {  	s10 =	sld [smem:$0x3FB7];
	_ =	sdelay $0x3  }
0x33: {  	p0 =	seq.s32 s10, $0x1;
	s10 =	sld [smem:$0x3FB9];
	_ =	sdelay $0x3  }
0x34: {  	[smem:$0x3FB9] =	sst s10  }
0x35: {  	s10 =	sld [smem:$0x3FB8];
	_ =	sdelay $0x3  }
0x36: {  	p1 =	seq.s32 s10, $0x1;
	s10 =	sld [smem:$0x3FB9];
	_ =	sdelay $0x3  }
0x37: {  	[smem:$0x3FB9] =	sst s10  }
0x38: {  	s10 =	sld [smem:$0x3FBA]  }
0x39: {  	_ = 	snop;
	(pc) =	sbr.ind lr, $3  }
0x3a: {  	_ = 	snop  }
0x3b: {  	_ = 	snop  }
0x3c: {  	p2 =	seq.s32 s10, $0x1;
	s10 =	sld [smem:$0x3FB9]  }
0x3d: {  	_ =	shalt  }
0x3e: {  	_ =	shalt  }
0x3f: {  	_ =	shalt  }
0x40: {  	_ =	shalt  }
0x41: {  	_ =	shalt  }
0x42: {  	_ =	shalt  }
0x43: {  	_ =	shalt  }
0x44: {  	_ =	shalt  }
0x45: {  	_ =	shalt  }
0x46: {  	_ =	shalt  }
0x47: {  	_ =	shalt  }
0x48: {  	_ =	shalt  }
0x49: {  	_ =	shalt  }
0x4a: {  	_ =	shalt  }
0x4b: {  	_ =	shalt  }
0x4c: {  	_ =	shalt  }
0x4d: {  	_ =	shalt  }
0x4e: {  	_ =	shalt  }
0x4f: {  	_ =	shalt  }
0x50: {  	_ =	shalt  }
0x51: {  	_ =	shalt  }
0x52: {  	_ =	shalt  }
0x53: {  	_ =	shalt  }
0x54: {  	_ =	shalt  }
0x55: {  	_ =	shalt  }
0x56: {  	_ =	shalt  }
0x57: {  	_ =	shalt  }
0x58: {  	_ =	shalt  }
0x59: {  	_ =	shalt  }
0x5a: {  	_ =	shalt  }
0x5b: {  	_ =	shalt  }
0x5c: {  	_ =	shalt  }
0x5d: {  	_ =	shalt  }
0x5e: {  	_ =	shalt  }
0x5f: {  	_ =	shalt  }
0x60: {  	_ =	shalt  }
0x61: {  	_ =	shalt  }
0x62: {  	_ =	shalt  }
0x63: {  	_ =	shalt  }
0x64: {  	_ =	shalt  }
0x65: {  	_ =	shalt  }
0x66: {  	_ =	shalt  }
0x67: {  	_ =	shalt  }
0x68: {  	_ =	shalt  }
0x69: {  	_ =	shalt  }
0x6a: {  	_ =	shalt  }
0x6b: {  	_ =	shalt  }
0x6c: {  	_ =	shalt  }
0x6d: {  	_ =	shalt  }
0x6e: {  	_ =	shalt  }
0x6f: {  	_ =	shalt  }
0x70: {  	_ =	shalt  }
0x71: {  	_ =	shalt  }
0x72: {  	_ =	shalt  }
0x73: {  	_ =	shalt  }
0x74: {  	_ =	shalt  }
0x75: {  	_ =	shalt  }
0x76: {  	_ =	shalt  }
0x77: {  	_ =	shalt  }
0x78: {  	_ =	shalt  }
0x79: {  	_ =	shalt  }
0x7a: {  	_ =	shalt  }
0x7b: {  	_ =	shalt  }
0x7c: {  	_ =	shalt  }
0x7d: {  	_ =	shalt  }
0x7e: {  	_ =	shalt  }
0x7f: {  	_ =	shalt  }
0x80: {  	_ =	shalt  }
0x81: {  	_ =	shalt  }
0x82: {  	_ =	shalt  }
0x83: {  	_ =	shalt  }
0x84: {  	_ =	shalt  }
0x85: {  	_ =	shalt  }
0x86: {  	_ =	shalt  }
0x87: {  	_ =	shalt  }
.Lfunc_end0:
.L_simem_size_0:
called_computation_lowered:
.L_overlay_start_0:
0x88: {  	s2 =	sld [smem:$0x3FD9]  }
0x89: {  	s3 =	sld [smem:$0x3FFE];
	_ =	sdelay $0x1  }
0x8a: {  	s1 =	srdreg.scid  }
0x8b: {  	s0 =	sand.u32 $0x1, s1  }
0x8c: {  	s17 =	sshll.u32 s0, $0xA;
	s2 =	sadd.s32 s3, s2  }
0x8d: {  	s2 =	sadd.s32 s2, s17  }
0x8e: {  	[smem:$0x3FC5] =	sst s2  }
0x8f: {  	_ = 	snop  }
0x90: {  	s2 =	sld [smem:$0x3FC8]  }
0x91: {  	s18 =	sld [smem:$0x3FD0];
	(tm) =	ssettm $0x1  }
0x92: {  	s4 =	sld [smem:$0x3FFB];
	_ =	sdelay $0x3  }
0x93: {  	_ =	strace s4  }
0x94: {  	s4 =	sld [smem:$0x3FFC];
	_ =	sdelay $0x3  }
0x95: {  	_ =	strace s4  }
0x96: {  	s4 =	sld [smem:$0x3FFD];
	_ =	sdelay $0x3  }
0x97: {  	_ =	strace s4  }
0x98: {  	_ =	strace $0x8FFFFFFF  }
0x99: {  	s19 =	sld [smem:$0x3FDB];
	_ =	sdelay $0x1  }
0x9a: {  	s5 =	simm.s32 $_scs_section_size  }
0x9b: {  	s6 =	simm.s32 $_size__tile_overlayer_lowered;
	s7 =	simm.s32 $_tile_overlayer_lowered  }
0x9c: {  	s22 =	simm.s32 $0x1BFF;
	s21 =	sshll.u32 s7, $0x1;
	s4 =	sadd.s32 s5, s19  }
0x9d: {  	s8 =	simm.s32 $0x0;
	s20 =	sshll.u32 s6, $0x1;
	s6 =	sadd.s32 s21, s4  }
0x9e: {  	[timem:s8], [sflag:s22] =	dma.local [hbm:s6], s20  }
0x9f: {  	_ =	swait.ge [sflag:s22], s20  }
0xa0: {  	s5 =	ssub.s32 $0x0, s20;
	[sflag:s22] =	ssyncset.done $0x0  }
0xa1: {  	[sflag:s22] =	ssyncadd.s32 s5;
	_ =	sdelay $0x1  }
0xa2: {  	s23 =	simm.s32 $0x1B8B  }
0xa3: {  	_ =	swait.ge [sflag:s23], $0x1  }
0xa4: {  	[sflag:s23] =	ssyncset.done $0x0  }
0xa5: {  	s25 =	simm.s32 $0x1B8E;
	s24 =	sld [smem:$0x3FFE];
	[sflag:s23] =	ssyncadd.s32 $0xFFFFFFFF  }
0xa6: {  	s26 =	simm.s32 $execute0_lowered;
	[smem:$0x3FD2] =	sst s25  }
0xa7: {  	s6 =	sshll.u32 s26, $0x1;
	_ =	strace $0x80000046;
	[dreg:$0x1] =	wrdreg $0xFFFFFFFF  }
0xa8: {  	s28 =	simm.s32 $_size_execute0_lowered;
	s4 =	sadd.s32 s4, s6;
	[dreg:$0x0] =	wrdreg $0x0  }
0xa9: {  	s6 =	sshll.u32 s28, $0x1;
	[dreg:$0x2] =	wrdreg s4  }
0xaa: {  	[dreg:$0x3] =	wrdreg s6  }
0xab: {  	[dreg:$0x4] =	wrdreg $0xC0  }
0xac: {  	_ =	task [dreg:s8], $0x5FFFF  }
0xad: {  	[dreg:$0x1] =	wrdreg $0xFFFFFFFF  }
0xae: {  	[dreg:$0x0] =	wrdreg $0x60  }
0xaf: {  	[dreg:$0x2] =	wrdreg s18  }
0xb0: {  	[dreg:$0x3] =	wrdreg s2  }
0xb1: {  	[dreg:$0x4] =	wrdreg s24  }
0xb2: {  	[dreg:$0x5] =	wrdreg $0x9  }
0xb3: {  	_ =	task.clear_ibuf [dreg:s8], $0x6FFFF;
	_ =	strace $0x90000046  }
0xb4: {  	s29 =	simm.s32 $0x9;
	_ =	strace $0x80000048  }
0xb5: {  	_ =	swait.ge [sflag:s29], $0x1  }
0xb6: {  	[sflag:s29] =	ssyncadd.s32 $0xFFFFFFFF  }
0xb7: {  	_ =	strace $0x90000048  }
0xb8: {  	_ =	sfence  }
0xb9: {  	s30 =	sld [smem:$0x0];
	_ =	sdelay $0x2  }
0xba: {  	s31 =	sshll.u32 s1, $0xD;
	s1 =	sshrl.u32 s1, $0x2  }
0xbb: {  	s3 =	sand.u32 $0x4000, s31;
	s1 =	sadd.s32 s1, s30  }
0xbc: {  	s0 =	sor.u32 s3, s0;
	s1 =	sshll.u32 s1, $0x11  }
0xbd: {  	s0 =	sor.u32 s1, s0  }
0xbe: {  	s0 =	sadd.s32 $0x8F2B, s0  }
0xbf: {  	[sflag:s0] =	ssyncadd.remote.s32 $0x1  }
0xc0: {  	_ =	sfence.sel $0xFFFF  }
0xc1: {  	[dreg:$0x0] =	wrdreg $0xFFFFFFFF;
	(pc) =	sbr.abs _section_cstart, $3  }
0xc2: {  	[dreg:$0x1] =	wrdreg $0xFFFFFFFF  }
0xc3: {  	_ =	task.clear_ibuf [dreg:s8], $0x2FFFF;
	_ =	strace $0x9FFFFFFF  }
0xc4: {  	(tm) =	ssettm $0x7FFFFFFF  }
0xc5: {  	_ =	shalt  }
tec
execute0_lowered:
.L_overlay_start_1:
0x0: {  	(tag) =	ssettag $0x1  }
0x1: {  	s1 =	rddreg [dreg:$0x0]  }
0x2: {  	s4 =	rddreg [dreg:$0x1]  }
0x3: {  	s5 =	rddreg [dreg:$0x2]  }
0x4: {  	s0 =	rddreg [dreg:$0x3];
	s6 =	srdreg.scid  }
0x5: {  	s3 =	simm.s32 $0x0;
	s2 =	stileid.u32;
	s10 =	simm.s32 $0x180  }
0x6: {  	s11 =	simm.s32 $0x1;
	s12 =	simm.s32 $0x100;
	s13 =	simm.s32 $0x1180  }
0x7: {  	s14 =	simm.s32 $0x0;
	s6 =	sand.u32 $0x1, s6;
	[smem:$0x7FF] =	sst s3  }
0x8: {  	s7 =	sshll.u32 s2, $0x6;
	s8 =	sshll.u32 s6, $0x5;
	s6 =	ssub.s32 $0x2, s6  }
0x9: {  	_ =	strace $0x80000047;
	s7 =	sor.u32 s8, s7;
	s31 =	sshrl.u32 s6, $0x1  }
0xa: {  	s8 =	simm.s32 $0x20;
	s9 =	sshrl.u32 s7, $0x3;
	s7 =	sshll.u32 s7, $0x4  }
0xb: {  	v0 =	vlaneseq.u32;
	s6 =	ssub.s32 s6, s31;
	s4 =	sadd.s32 s4, s9;
	s5 =	sadd.s32 s5, s7  }
0xc: {  	v1 =	vor.u32 $0x10, v0;
	v2 =	vor.u32 $0x20, v0;
	v3 =	vor.u32 $0x30, v0;
	s6 =	smax.u32 s6, $0x1;
	s7 =	simm.s32 $0x2;
	s9 =	simm.s32 $0x80  }
.LBB2_1:
0xd: {  	[tilespmem:s3], [sflag:$0x2] =	stream.linear.gather [hbm4b:s4+s3], $0x20, $0x38;
	[tilespmem:$0x2180] =	vst v63  }
0xe: {  	_ =	swait.ge [sflag:s7], $0x20  }
0xf: {  	[sflag:s7] =	ssyncset.done $0x0  }
0x10: {  	[sflag:s7] =	ssyncadd.s32 $0xFFFFFFE0  }
0x11: {  	v4 =	vld [tilespmem:$0x0];
	_ =	sdelay $0x1  }
0x12: {  	v5 =	vld [tilespmem:$0x10];
	_ =	sdelay $0x2  }
0x13: {  	v6 =	vshrl.u32 v4, $0x1;
	v4 =	vshll.u32 v4, $0x6  }
0x14: {  	[tilespmem:$0x80] =	vst v6;
	v4 =	vand.u32 $0x40, v4  }
0x15: {  	[tilespmem:$0x100] =	vst v4;
	v4 =	vshrl.u32 v5, $0x1;
	v5 =	vshll.u32 v5, $0x6  }
0x16: {  	[tilespmem:$0x90] =	vst v4;
	v4 =	vand.u32 $0x40, v5  }
0x17: {  	[tilespmem:$0x110] =	vst v4;
	v4 =	vmov s3  }
0x18: {  	[tilespmem:s10], [sflag:$0x1] =	stream.indirect.gather [hbm4b:s1+s8], $0x80, s9, s8, $0xb8;
	[tilespmem:$0x2180] =	vst v63  }
0x19: {  	_ =	swait.ge [sflag:s11], $0x1000  }
0x1a: {  	[sflag:s11] =	ssyncset.done $0x0  }
0x1b: {  	[sflag:s11] =	ssyncadd.s32 $0xFFFFF000  }
0x1c: {  	v5 =	vld.idx.msk [tilespmem:v4+s12+$0x0], $0xffff;
	_ =	sdelay $0x4  }
0x1d: {  	v6 =	vadd.s32 v0, v5  }
0x1e: {  	v4 =	vshll.u32 v4, $0x7;
	v7 =	vand.u32 $0xFFFFFF80, v6  }
0x1f: {  	v6 =	vand.u32 $0x7F, v6;
	v7 =	vadd.s32 v4, v7  }
0x20: {  	v6 =	vor.u32 v6, v7;
	_ =	sdelay $0x2  }
0x21: {  	v7 =	vadd.s32 v1, v5  }
0x22: {  	v8 =	vand.u32 $0xFFFFFF80, v7  }
0x23: {  	v7 =	vand.u32 $0x7F, v7;
	v8 =	vadd.s32 v4, v8;
	v6 =	vld.idx.msk [tilespmem:v6+s10+$0x0], $0xffff  }
0x24: {  	v7 =	vor.u32 v7, v8;
	_ =	sdelay $0x2  }
0x25: {  	s15 =	simm.s32 $0x11A0;
	v62 =	vadd.s32 v2, v5  }
0x26: {  	v9 =	vand.u32 $0xFFFFFF80, v62;
	[tilespmem:s15+$0xFFFFFFE0] =	vst v6  }
0x27: {  	v8 =	vand.u32 $0x7F, v62;
	v6 =	vadd.s32 v4, v9;
	v7 =	vld.idx.msk [tilespmem:v7+s10+$0x0], $0xffff  }
0x28: {  	v6 =	vor.u32 v8, v6;
	_ =	sdelay $0x2  }
0x29: {  	v5 =	vadd.s32 v3, v5  }
0x2a: {  	v63 =	vand.u32 $0xFFFFFF80, v5;
	[tilespmem:s15+$0xFFFFFFF0] =	vst v7  }
0x2b: {  	v5 =	vand.u32 $0x7F, v5;
	v4 =	vadd.s32 v4, v63;
	v6 =	vld.idx.msk [tilespmem:v6+s10+$0x0], $0xffff  }
0x2c: {  	v4 =	vor.u32 v5, v4;
	_ =	sdelay $0x3  }
0x2d: {  	[tilespmem:s15+$0x0] =	vst v6  }
0x2e: {  	s17 =	simm.s32 $0x1;
	v5 =	vld.idx.msk [tilespmem:v4+s10+$0x0], $0xffff  }
0x2f: {  	s16 =	simm.s32 $0x2;
	v4 =	vmov s17  }
.LBB2_2:
0x30: {  	_ =	sdelay $0x1  }
0x31: {  	p0 =	sne.s32 s16, $0x1F  }
0x32: {  	s17 =	smov.u32 s16;
	s16 =	sadd.s32 $0x1, s16;
	[tilespmem:s15+$0x10] =	vst v5;
	s15 =	sadd.s32 $0x80, s15  }
0x33: {  	v5 =	vld.idx.msk [tilespmem:v4+s12+$0x0], $0xffff;
	_ =	sdelay $0x5  }
0x34: {  	v6 =	vadd.s32 v0, v5;
	v7 =	vadd.s32 v1, v5;
	v8 =	vadd.s32 v2, v5  }
0x35: {  	v4 =	vshll.u32 v4, $0x7;
	v9 =	vand.u32 $0xFFFFFF80, v6;
	v10 =	vand.u32 $0xFFFFFF80, v7  }
0x36: {  	v6 =	vand.u32 $0x7F, v6;
	v9 =	vadd.s32 v4, v9;
	v10 =	vadd.s32 v4, v10  }
0x37: {  	v5 =	vadd.s32 v3, v5;
	v6 =	vor.u32 v6, v9;
	v9 =	vand.u32 $0xFFFFFF80, v8  }
0x38: {  	v11 =	vand.u32 $0xFFFFFF80, v5;
	v9 =	vadd.s32 v4, v9  }
0x39: {  	v4 =	vadd.s32 v4, v11;
	_ =	sdelay $0x2  }
0x3a: {  	v6 =	vld.idx.msk [tilespmem:v6+s10+$0x0], $0xffff  }
0x3b: {  	v7 =	vand.u32 $0x7F, v7  }
0x3c: {  	v7 =	vor.u32 v7, v10;
	_ =	sdelay $0x3  }
0x3d: {  	[tilespmem:s15+$0xFFFFFFE0] =	vst v6  }
0x3e: {  	v6 =	vld.idx.msk [tilespmem:v7+s10+$0x0], $0xffff  }
0x3f: {  	v7 =	vand.u32 $0x7F, v8  }
0x40: {  	v7 =	vor.u32 v7, v9;
	_ =	sdelay $0x3  }
0x41: {  	[tilespmem:s15+$0xFFFFFFF0] =	vst v6  }
0x42: {  	v6 =	vld.idx.msk [tilespmem:v7+s10+$0x0], $0xffff  }
0x43: {  	v5 =	vand.u32 $0x7F, v5  }
0x44: {  	v4 =	vor.u32 v5, v4;
	_ =	sdelay $0x2  }
.Ltmp0:
0x45: {  	(pc) =	sbr.rel @p0 .LBB2_2-.Ltmp0, $3  }
0x46: {  	[tilespmem:s15+$0x0] =	vst v6  }
0x47: {  	v5 =	vld.idx.msk [tilespmem:v4+s10+$0x0], $0xffff;
	_ =	sdelay $0x1  }
0x48: {  	v4 =	vmov s17  }
0x49: {  	_ =	sdelay $0x2  }
0x4a: {  	[tilespmem:s15+$0x10] =	vst v5  }
0x4b: {  	v5 =	vld.idx.msk [tilespmem:v4+s12+$0x0], $0xffff;
	_ =	sdelay $0x4  }
0x4c: {  	v6 =	vadd.s32 v0, v5  }
0x4d: {  	v4 =	vshll.u32 v4, $0x7;
	v7 =	vand.u32 $0xFFFFFF80, v6  }
0x4e: {  	v6 =	vand.u32 $0x7F, v6;
	v7 =	vadd.s32 v4, v7  }
0x4f: {  	v6 =	vor.u32 v6, v7;
	_ =	sdelay $0x2  }
0x50: {  	v60 =	vadd.s32 v1, v5  }
0x51: {  	v8 =	vand.u32 $0xFFFFFF80, v60  }
0x52: {  	v8 =	vadd.s32 v4, v8;
	v7 =	vand.u32 $0x7F, v60;
	v6 =	vld.idx.msk [tilespmem:v6+s10+$0x0], $0xffff  }
0x53: {  	v7 =	vor.u32 v7, v8;
	_ =	sdelay $0x2  }
0x54: {  	s31 =	sadd.s32 $0x80, s15;
	v61 =	vadd.s32 v2, v5  }
0x55: {  	v9 =	vand.u32 $0xFFFFFF80, v61;
	[tilespmem:s31+$0xFFFFFFE0] =	vst v6  }
0x56: {  	v62 =	vadd.s32 v4, v9;
	v8 =	vand.u32 $0x7F, v61;
	v7 =	vld.idx.msk [tilespmem:v7+s10+$0x0], $0xffff  }
0x57: {  	v6 =	vor.u32 v8, v62;
	_ =	sdelay $0x2  }
0x58: {  	v5 =	vadd.s32 v3, v5  }
0x59: {  	v63 =	vand.u32 $0xFFFFFF80, v5;
	[tilespmem:s31+$0xFFFFFFF0] =	vst v7  }
0x5a: {  	v5 =	vand.u32 $0x7F, v5;
	v4 =	vadd.s32 v4, v63;
	v6 =	vld.idx.msk [tilespmem:v6+s10+$0x0], $0xffff  }
0x5b: {  	v4 =	vor.u32 v5, v4;
	_ =	sdelay $0x3  }
0x5c: {  	[tilespmem:s31+$0x0] =	vst v6  }
0x5d: {  	v4 =	vld.idx.msk [tilespmem:v4+s10+$0x0], $0xffff;
	_ =	sdelay $0x2  }
0x5e: {  	s14 =	sadd.s32 $0x1, s14  }
0x5f: {  	p0 =	sne.s32 s14, s6  }
.Ltmp1:
0x60: {  	[tilespmem:s31+$0x10] =	vst v4;
	(pc) =	sbr.rel @p0 .LBB2_1-.Ltmp1, $4  }
0x61: {  	[hbm4b:s5+s3] =	stream.linear.scatter [tilespmem:s13], [sflag:$0x2], $0x1000, $0x38;
	[tilespmem:$0x2180] =	vst v63  }
0x62: {  	_ =	swait.ge [sflag:s7], $0x1000  }
0x63: {  	[sflag:s7] =	ssyncset.done $0x0  }
0x64: {  	[sflag:s7] =	ssyncadd.s32 $0xFFFFF000  }
0x65: {  	_ =	sfence.sel $0x180000  }
0x66: {  	[bflag:$0x0] =	sbarrier.arrive $0xFFFF  }
0x67: {  	p0 =	sne.s32 s2, $0x0;
	_ =	strace $0x90000047  }
0x68: {  	s0 =	sadd.s32 @!p0 $0x100000, s0;
	[bflag:$0x2] =	sbarrier.arrive $0xFFFF  }
0x69: {  	[sflag:s0] =	ssyncadd.tile.s32 @!p0 $0x1;
	_ =	shalt  }
.Lfunc_end2:
_tile_overlayer_lowered:
.L_overlay_start_2:
0x6a: {  	(tag) =	ssettag $0x2  }
0x6b: {  	s0 =	rddreg [dreg:$0x0];
	s2 =	stileid.u32  }
0x6c: {  	s1 =	rddreg [dreg:$0x1];
	p0 =	sne.s32 s2, $0x0  }
0x6d: {  	s3 =	rddreg [dreg:$0x2];
	[bflag:$0x3] =	sbarrier.arrive $0xFFFF;
	s2 =	simm.s32 @!p0 $0x1C02  }
0x6e: {  	[timem:s3], [sflag:s2] =	dma.local @!p0 [hbm:s0], s1  }
0x6f: {  	s0 =	simm.s32 @!p0 $0x2  }
0x70: {  	_ =	swait.ge @!p0 [sflag:s0], s1  }
0x71: {  	s1 =	ssub.s32 @!p0 $0x0, s1;
	[sflag:s0] =	ssyncset.done @!p0 $0x0  }
0x72: {  	[sflag:s0] =	ssyncadd.s32 @!p0 s1  }
0x73: {  	[bflag:$0x3] =	sbarrier.arrive $0xFFFF  }
0x74: {  	_ =	shalt  }

</sc_bundles>
